<compile_context>
chip_gen: v7x
topology: tpu7x:2x2x1
jax: 0.10.2.dev20260603
libtpu: 0.0.44.dev20260713+nightly
codegen_flags: <defaults>
</compile_context>

<pallas_src>
import functools

import jax
import jax.numpy as jnp
from jax import lax
from jax.experimental import pallas as pl
from jax.experimental.pallas import tpu as pltpu
from jax.experimental.pallas import tpu_sc as plsc

N_NODES = 1000000
BATCH = 16384
NUM_CORES = 2
NUM_SUBCORES = 16
NW = NUM_CORES * NUM_SUBCORES
B_PER_W = BATCH // NW
CHUNK = 128
NCHUNK = B_PER_W // CHUNK

_mesh = plsc.VectorSubcoreMesh(core_axis_name="c", subcore_axis_name="s")


@functools.partial(
    pl.kernel,
    mesh=_mesh,
    out_type=[jax.ShapeDtypeStruct((BATCH,), jnp.float32)] * 3,
    scratch_types=[
        pltpu.VMEM((B_PER_W,), jnp.int32),
        pltpu.VMEM((B_PER_W,), jnp.float32),
        pltpu.VMEM((B_PER_W,), jnp.float32),
        pltpu.VMEM((B_PER_W,), jnp.float32),
        pltpu.SemaphoreType.DMA,
    ],
)
def _gather3(idx_hbm, mu_hbm, sg_hbm, et_hbm, out_mu, out_sg, out_et,
             idx_v, buf_mu, buf_sg, buf_et, sem):
    wid = lax.axis_index("s") * NUM_CORES + lax.axis_index("c")
    base = wid * B_PER_W
    pltpu.sync_copy(idx_hbm.at[pl.ds(base, B_PER_W)], idx_v)
    copies = [
        pltpu.async_copy(tbl.at[idx_v.at[pl.ds(j * CHUNK, CHUNK)]],
                         buf.at[pl.ds(j * CHUNK, CHUNK)], sem)
        for tbl, buf in ((mu_hbm, buf_mu), (sg_hbm, buf_sg),
                         (et_hbm, buf_et))
        for j in range(NCHUNK)
    ]
    for c in copies:
        c.wait()
    pltpu.sync_copy(buf_mu, out_mu.at[pl.ds(base, B_PER_W)])
    pltpu.sync_copy(buf_sg, out_sg.at[pl.ds(base, B_PER_W)])
    pltpu.sync_copy(buf_et, out_et.at[pl.ds(base, B_PER_W)])


def kernel(indices, mu_w, sigma_w, eta_w):
    mu, sg, et = _gather3(indices.astype(jnp.int32),
                          mu_w[:, 0], sigma_w[:, 0], eta_w[:, 0])
    return jnp.stack([mu, sg, et], axis=-1)

# --- scband reference (transcript-rebuilt; emitter-appended) ---
"""Pipeline reference for scband-ltcm-44598940402045 (READ-ONLY COPY).

The authoritative reference and input builder live on the scoring server;
editing this copy changes nothing except your own understanding.
"""

import jax, jax.numpy as jnp
import numpy as np

N_NODES = 1000000
BATCH = 16384

def setup_inputs(seed: int = 0) -> dict:
    key = jax.random.key(seed)
    k1, k2, k3, k4 = jax.random.split(key, 4)
    indices = jax.random.randint(k1, (BATCH,), 0, N_NODES)
    # Parameters sized per init_kwargs, initialized like the torch module
    mu_w = jax.random.uniform(k2, (N_NODES, 1), minval=0.0, maxval=1.0, dtype=jnp.float32)
    sigma_w = jax.random.uniform(k3, (N_NODES, 1), minval=-1.0, maxval=0.0, dtype=jnp.float32)
    eta_w = jax.random.uniform(k4, (N_NODES, 1), minval=1.0 - 0.01, maxval=1.0 + 0.01, dtype=jnp.float32)
    return {"indices": indices, "mu_w": mu_w, "sigma_w": sigma_w, "eta_w": eta_w}

def reference(indices, mu_w, sigma_w, eta_w):
    # Embedding lookups: gather rows of each per-node parameter table
    mu = jnp.take(mu_w, indices, axis=0)       # [B, 1]
    sigma = jnp.take(sigma_w, indices, axis=0)  # [B, 1]
    eta = jnp.take(eta_w, indices, axis=0)      # [B, 1]
    return jnp.concatenate([mu, sigma, eta], axis=-1)  # [B, 3]

if __name__ == "__main__":
    import jax
    _d = setup_inputs()
    print(jax.jit(kernel)(*tuple(_d.values())))

</pallas_src>

<mosaic_0001>
#map = affine_map<(d0, d1) -> (0)>
module attributes {stable_mosaic.version = 14 : i64} {
  func.func @_gather3(%arg0: i32, %arg1: i32, %arg2: memref<16384xi32, #tpu.memory_space<hbm>>, %arg3: memref<1000000xf32, #tpu.memory_space<hbm>>, %arg4: memref<1000000xf32, #tpu.memory_space<hbm>>, %arg5: memref<1000000xf32, #tpu.memory_space<hbm>>, %arg6: memref<16384xf32, #tpu.memory_space<hbm>>, %arg7: memref<16384xf32, #tpu.memory_space<hbm>>, %arg8: memref<16384xf32, #tpu.memory_space<hbm>>, %arg9: memref<512xi32, #tpu.memory_space<vmem>>, %arg10: memref<512xf32, #tpu.memory_space<vmem>>, %arg11: memref<512xf32, #tpu.memory_space<vmem>>, %arg12: memref<512xf32, #tpu.memory_space<vmem>>, %arg13: memref<!tpu.dma_semaphore, #tpu.memory_space<semaphore_mem>>) attributes {dimension_semantics = [#tpu.dimension_semantics<core_parallel>, #tpu.dimension_semantics<subcore_parallel>], iteration_bounds = array<i64: 2, 16>, scalar_prefetch = 0 : i64, scratch_operands = 5 : i64, tpu.core_type = #tpu.core_type<sc_vector_subcore>, window_params = [{transform_indices = #map}, {transform_indices = #map}, {transform_indices = #map}, {transform_indices = #map}, {transform_indices = #map}, {transform_indices = #map}, {transform_indices = #map}]} {
    %mul3A = arith.constant 2 : i32
    %mul3A_0 = arith.muli %arg1, %mul3A : i32
    %add3A = arith.addi %mul3A_0, %arg0 : i32
    %mul3A_1 = arith.constant 512 : i32
    %mul3A_2 = arith.muli %add3A, %mul3A_1 : i32
    "tpu.region"() ({
      %run_scoped3A = tpu.sem_alloc : memref<!tpu.dma_semaphore, #tpu.memory_space<semaphore_mem>>
      %dma_start3A_145 = tpu.memref_slice %arg2[%mul3A_2] : memref<16384xi32, #tpu.memory_space<hbm>> -> memref<512xi32, #tpu.memory_space<hbm>>
      %dma_start3A_146 = tpu.memref_slice %arg2[%mul3A_2] : memref<16384xi32, #tpu.memory_space<hbm>> -> memref<512xi32, #tpu.memory_space<hbm>>
      tpu.enqueue_dma source(%dma_start3A_146 : memref<512xi32, #tpu.memory_space<hbm>>) target(%arg9 : memref<512xi32, #tpu.memory_space<vmem>>) target_semaphore(%run_scoped3A : memref<!tpu.dma_semaphore, #tpu.memory_space<semaphore_mem>>)
      %dma_wait3A_147 = tpu.memref_slice %arg2[%mul3A_2] : memref<16384xi32, #tpu.memory_space<hbm>> -> memref<512xi32, #tpu.memory_space<hbm>>
      %dma_wait3A_148 = tpu.memref_slice %arg2[%mul3A_2] : memref<16384xi32, #tpu.memory_space<hbm>> -> memref<512xi32, #tpu.memory_space<hbm>>
      tpu.wait_dma2 semaphore(%run_scoped3A : memref<!tpu.dma_semaphore, #tpu.memory_space<semaphore_mem>>) src(%dma_wait3A_148 : memref<512xi32, #tpu.memory_space<hbm>>) dst(%arg9 : memref<512xi32, #tpu.memory_space<vmem>>)
      tpu.yield
    }) : () -> ()
    %dma_start3A = arith.constant 0 : i32
    %dma_start3A_3 = tpu.memref_slice %arg10[%dma_start3A] : memref<512xf32, #tpu.memory_space<vmem>> -> memref<128xf32, #tpu.memory_space<vmem>>
    %dma_start3A_4 = arith.constant 0 : i32
    %dma_start3A_5 = tpu.memref_slice %arg9[%dma_start3A_4] : memref<512xi32, #tpu.memory_space<vmem>> -> memref<128xi32, #tpu.memory_space<vmem>>
    %dma_start3A_6 = arith.constant 0 : i32
    %dma_start3A_7 = tpu.memref_slice %arg3[%dma_start3A_6] : memref<1000000xf32, #tpu.memory_space<hbm>> -> memref<1000000xf32, #tpu.memory_space<hbm>>
    tpu.enqueue_indirect_dma source(%dma_start3A_7 : memref<1000000xf32, #tpu.memory_space<hbm>>) target(%dma_start3A_3 : memref<128xf32, #tpu.memory_space<vmem>>) offsets(%dma_start3A_5 : memref<128xi32, #tpu.memory_space<vmem>>) semaphore(%arg13 : memref<!tpu.dma_semaphore, #tpu.memory_space<semaphore_mem>>)
    %dma_start3A_8 = arith.constant 128 : i32
    %dma_start3A_9 = tpu.memref_slice %arg10[%dma_start3A_8] : memref<512xf32, #tpu.memory_space<vmem>> -> memref<128xf32, #tpu.memory_space<vmem>>
    %dma_start3A_10 = arith.constant 128 : i32
    %dma_start3A_11 = tpu.memref_slice %arg9[%dma_start3A_10] : memref<512xi32, #tpu.memory_space<vmem>> -> memref<128xi32, #tpu.memory_space<vmem>>
    %dma_start3A_12 = arith.constant 0 : i32
    %dma_start3A_13 = tpu.memref_slice %arg3[%dma_start3A_12] : memref<1000000xf32, #tpu.memory_space<hbm>> -> memref<1000000xf32, #tpu.memory_space<hbm>>
    tpu.enqueue_indirect_dma source(%dma_start3A_13 : memref<1000000xf32, #tpu.memory_space<hbm>>) target(%dma_start3A_9 : memref<128xf32, #tpu.memory_space<vmem>>) offsets(%dma_start3A_11 : memref<128xi32, #tpu.memory_space<vmem>>) semaphore(%arg13 : memref<!tpu.dma_semaphore, #tpu.memory_space<semaphore_mem>>)
    %dma_start3A_14 = arith.constant 256 : i32
    %dma_start3A_15 = tpu.memref_slice %arg10[%dma_start3A_14] : memref<512xf32, #tpu.memory_space<vmem>> -> memref<128xf32, #tpu.memory_space<vmem>>
    %dma_start3A_16 = arith.constant 256 : i32
    %dma_start3A_17 = tpu.memref_slice %arg9[%dma_start3A_16] : memref<512xi32, #tpu.memory_space<vmem>> -> memref<128xi32, #tpu.memory_space<vmem>>
    %dma_start3A_18 = arith.constant 0 : i32
    %dma_start3A_19 = tpu.memref_slice %arg3[%dma_start3A_18] : memref<1000000xf32, #tpu.memory_space<hbm>> -> memref<1000000xf32, #tpu.memory_space<hbm>>
    tpu.enqueue_indirect_dma source(%dma_start3A_19 : memref<1000000xf32, #tpu.memory_space<hbm>>) target(%dma_start3A_15 : memref<128xf32, #tpu.memory_space<vmem>>) offsets(%dma_start3A_17 : memref<128xi32, #tpu.memory_space<vmem>>) semaphore(%arg13 : memref<!tpu.dma_semaphore, #tpu.memory_space<semaphore_mem>>)
    %dma_start3A_20 = arith.constant 384 : i32
    %dma_start3A_21 = tpu.memref_slice %arg10[%dma_start3A_20] : memref<512xf32, #tpu.memory_space<vmem>> -> memref<128xf32, #tpu.memory_space<vmem>>
    %dma_start3A_22 = arith.constant 384 : i32
    %dma_start3A_23 = tpu.memref_slice %arg9[%dma_start3A_22] : memref<512xi32, #tpu.memory_space<vmem>> -> memref<128xi32, #tpu.memory_space<vmem>>
    %dma_start3A_24 = arith.constant 0 : i32
    %dma_start3A_25 = tpu.memref_slice %arg3[%dma_start3A_24] : memref<1000000xf32, #tpu.memory_space<hbm>> -> memref<1000000xf32, #tpu.memory_space<hbm>>
    tpu.enqueue_indirect_dma source(%dma_start3A_25 : memref<1000000xf32, #tpu.memory_space<hbm>>) target(%dma_start3A_21 : memref<128xf32, #tpu.memory_space<vmem>>) offsets(%dma_start3A_23 : memref<128xi32, #tpu.memory_space<vmem>>) semaphore(%arg13 : memref<!tpu.dma_semaphore, #tpu.memory_space<semaphore_mem>>)
    %dma_start3A_26 = arith.constant 0 : i32
    %dma_start3A_27 = tpu.memref_slice %arg11[%dma_start3A_26] : memref<512xf32, #tpu.memory_space<vmem>> -> memref<128xf32, #tpu.memory_space<vmem>>
    %dma_start3A_28 = arith.constant 0 : i32
    %dma_start3A_29 = tpu.memref_slice %arg9[%dma_start3A_28] : memref<512xi32, #tpu.memory_space<vmem>> -> memref<128xi32, #tpu.memory_space<vmem>>
    %dma_start3A_30 = arith.constant 0 : i32
    %dma_start3A_31 = tpu.memref_slice %arg4[%dma_start3A_30] : memref<1000000xf32, #tpu.memory_space<hbm>> -> memref<1000000xf32, #tpu.memory_space<hbm>>
    tpu.enqueue_indirect_dma source(%dma_start3A_31 : memref<1000000xf32, #tpu.memory_space<hbm>>) target(%dma_start3A_27 : memref<128xf32, #tpu.memory_space<vmem>>) offsets(%dma_start3A_29 : memref<128xi32, #tpu.memory_space<vmem>>) semaphore(%arg13 : memref<!tpu.dma_semaphore, #tpu.memory_space<semaphore_mem>>)
    %dma_start3A_32 = arith.constant 128 : i32
    %dma_start3A_33 = tpu.memref_slice %arg11[%dma_start3A_32] : memref<512xf32, #tpu.memory_space<vmem>> -> memref<128xf32, #tpu.memory_space<vmem>>
    %dma_start3A_34 = arith.constant 128 : i32
    %dma_start3A_35 = tpu.memref_slice %arg9[%dma_start3A_34] : memref<512xi32, #tpu.memory_space<vmem>> -> memref<128xi32, #tpu.memory_space<vmem>>
    %dma_start3A_36 = arith.constant 0 : i32
    %dma_start3A_37 = tpu.memref_slice %arg4[%dma_start3A_36] : memref<1000000xf32, #tpu.memory_space<hbm>> -> memref<1000000xf32, #tpu.memory_space<hbm>>
    tpu.enqueue_indirect_dma source(%dma_start3A_37 : memref<1000000xf32, #tpu.memory_space<hbm>>) target(%dma_start3A_33 : memref<128xf32, #tpu.memory_space<vmem>>) offsets(%dma_start3A_35 : memref<128xi32, #tpu.memory_space<vmem>>) semaphore(%arg13 : memref<!tpu.dma_semaphore, #tpu.memory_space<semaphore_mem>>)
    %dma_start3A_38 = arith.constant 256 : i32
    %dma_start3A_39 = tpu.memref_slice %arg11[%dma_start3A_38] : memref<512xf32, #tpu.memory_space<vmem>> -> memref<128xf32, #tpu.memory_space<vmem>>
    %dma_start3A_40 = arith.constant 256 : i32
    %dma_start3A_41 = tpu.memref_slice %arg9[%dma_start3A_40] : memref<512xi32, #tpu.memory_space<vmem>> -> memref<128xi32, #tpu.memory_space<vmem>>
    %dma_start3A_42 = arith.constant 0 : i32
    %dma_start3A_43 = tpu.memref_slice %arg4[%dma_start3A_42] : memref<1000000xf32, #tpu.memory_space<hbm>> -> memref<1000000xf32, #tpu.memory_space<hbm>>
    tpu.enqueue_indirect_dma source(%dma_start3A_43 : memref<1000000xf32, #tpu.memory_space<hbm>>) target(%dma_start3A_39 : memref<128xf32, #tpu.memory_space<vmem>>) offsets(%dma_start3A_41 : memref<128xi32, #tpu.memory_space<vmem>>) semaphore(%arg13 : memref<!tpu.dma_semaphore, #tpu.memory_space<semaphore_mem>>)
    %dma_start3A_44 = arith.constant 384 : i32
    %dma_start3A_45 = tpu.memref_slice %arg11[%dma_start3A_44] : memref<512xf32, #tpu.memory_space<vmem>> -> memref<128xf32, #tpu.memory_space<vmem>>
    %dma_start3A_46 = arith.constant 384 : i32
    %dma_start3A_47 = tpu.memref_slice %arg9[%dma_start3A_46] : memref<512xi32, #tpu.memory_space<vmem>> -> memref<128xi32, #tpu.memory_space<vmem>>
    %dma_start3A_48 = arith.constant 0 : i32
    %dma_start3A_49 = tpu.memref_slice %arg4[%dma_start3A_48] : memref<1000000xf32, #tpu.memory_space<hbm>> -> memref<1000000xf32, #tpu.memory_space<hbm>>
    tpu.enqueue_indirect_dma source(%dma_start3A_49 : memref<1000000xf32, #tpu.memory_space<hbm>>) target(%dma_start3A_45 : memref<128xf32, #tpu.memory_space<vmem>>) offsets(%dma_start3A_47 : memref<128xi32, #tpu.memory_space<vmem>>) semaphore(%arg13 : memref<!tpu.dma_semaphore, #tpu.memory_space<semaphore_mem>>)
    %dma_start3A_50 = arith.constant 0 : i32
    %dma_start3A_51 = tpu.memref_slice %arg12[%dma_start3A_50] : memref<512xf32, #tpu.memory_space<vmem>> -> memref<128xf32, #tpu.memory_space<vmem>>
    %dma_start3A_52 = arith.constant 0 : i32
    %dma_start3A_53 = tpu.memref_slice %arg9[%dma_start3A_52] : memref<512xi32, #tpu.memory_space<vmem>> -> memref<128xi32, #tpu.memory_space<vmem>>
    %dma_start3A_54 = arith.constant 0 : i32
    %dma_start3A_55 = tpu.memref_slice %arg5[%dma_start3A_54] : memref<1000000xf32, #tpu.memory_space<hbm>> -> memref<1000000xf32, #tpu.memory_space<hbm>>
    tpu.enqueue_indirect_dma source(%dma_start3A_55 : memref<1000000xf32, #tpu.memory_space<hbm>>) target(%dma_start3A_51 : memref<128xf32, #tpu.memory_space<vmem>>) offsets(%dma_start3A_53 : memref<128xi32, #tpu.memory_space<vmem>>) semaphore(%arg13 : memref<!tpu.dma_semaphore, #tpu.memory_space<semaphore_mem>>)
    %dma_start3A_56 = arith.constant 128 : i32
    %dma_start3A_57 = tpu.memref_slice %arg12[%dma_start3A_56] : memref<512xf32, #tpu.memory_space<vmem>> -> memref<128xf32, #tpu.memory_space<vmem>>
    %dma_start3A_58 = arith.constant 128 : i32
    %dma_start3A_59 = tpu.memref_slice %arg9[%dma_start3A_58] : memref<512xi32, #tpu.memory_space<vmem>> -> memref<128xi32, #tpu.memory_space<vmem>>
    %dma_start3A_60 = arith.constant 0 : i32
    %dma_start3A_61 = tpu.memref_slice %arg5[%dma_start3A_60] : memref<1000000xf32, #tpu.memory_space<hbm>> -> memref<1000000xf32, #tpu.memory_space<hbm>>
    tpu.enqueue_indirect_dma source(%dma_start3A_61 : memref<1000000xf32, #tpu.memory_space<hbm>>) target(%dma_start3A_57 : memref<128xf32, #tpu.memory_space<vmem>>) offsets(%dma_start3A_59 : memref<128xi32, #tpu.memory_space<vmem>>) semaphore(%arg13 : memref<!tpu.dma_semaphore, #tpu.memory_space<semaphore_mem>>)
    %dma_start3A_62 = arith.constant 256 : i32
    %dma_start3A_63 = tpu.memref_slice %arg12[%dma_start3A_62] : memref<512xf32, #tpu.memory_space<vmem>> -> memref<128xf32, #tpu.memory_space<vmem>>
    %dma_start3A_64 = arith.constant 256 : i32
    %dma_start3A_65 = tpu.memref_slice %arg9[%dma_start3A_64] : memref<512xi32, #tpu.memory_space<vmem>> -> memref<128xi32, #tpu.memory_space<vmem>>
    %dma_start3A_66 = arith.constant 0 : i32
    %dma_start3A_67 = tpu.memref_slice %arg5[%dma_start3A_66] : memref<1000000xf32, #tpu.memory_space<hbm>> -> memref<1000000xf32, #tpu.memory_space<hbm>>
    tpu.enqueue_indirect_dma source(%dma_start3A_67 : memref<1000000xf32, #tpu.memory_space<hbm>>) target(%dma_start3A_63 : memref<128xf32, #tpu.memory_space<vmem>>) offsets(%dma_start3A_65 : memref<128xi32, #tpu.memory_space<vmem>>) semaphore(%arg13 : memref<!tpu.dma_semaphore, #tpu.memory_space<semaphore_mem>>)
    %dma_start3A_68 = arith.constant 384 : i32
    %dma_start3A_69 = tpu.memref_slice %arg12[%dma_start3A_68] : memref<512xf32, #tpu.memory_space<vmem>> -> memref<128xf32, #tpu.memory_space<vmem>>
    %dma_start3A_70 = arith.constant 384 : i32
    %dma_start3A_71 = tpu.memref_slice %arg9[%dma_start3A_70] : memref<512xi32, #tpu.memory_space<vmem>> -> memref<128xi32, #tpu.memory_space<vmem>>
    %dma_start3A_72 = arith.constant 0 : i32
    %dma_start3A_73 = tpu.memref_slice %arg5[%dma_start3A_72] : memref<1000000xf32, #tpu.memory_space<hbm>> -> memref<1000000xf32, #tpu.memory_space<hbm>>
    tpu.enqueue_indirect_dma source(%dma_start3A_73 : memref<1000000xf32, #tpu.memory_space<hbm>>) target(%dma_start3A_69 : memref<128xf32, #tpu.memory_space<vmem>>) offsets(%dma_start3A_71 : memref<128xi32, #tpu.memory_space<vmem>>) semaphore(%arg13 : memref<!tpu.dma_semaphore, #tpu.memory_space<semaphore_mem>>)
    %dma_wait3A = arith.constant 0 : i32
    %dma_wait3A_74 = tpu.memref_slice %arg10[%dma_wait3A] : memref<512xf32, #tpu.memory_space<vmem>> -> memref<128xf32, #tpu.memory_space<vmem>>
    %dma_wait3A_75 = arith.constant 0 : i32
    %dma_wait3A_76 = tpu.memref_slice %arg9[%dma_wait3A_75] : memref<512xi32, #tpu.memory_space<vmem>> -> memref<128xi32, #tpu.memory_space<vmem>>
    %dma_wait3A_77 = arith.constant 0 : i32
    %dma_wait3A_78 = tpu.memref_slice %arg3[%dma_wait3A_77] : memref<1000000xf32, #tpu.memory_space<hbm>> -> memref<1000000xf32, #tpu.memory_space<hbm>>
    tpu.wait_indirect_dma semaphore(%arg13 : memref<!tpu.dma_semaphore, #tpu.memory_space<semaphore_mem>>) src(%dma_wait3A_78 : memref<1000000xf32, #tpu.memory_space<hbm>>) dst(%dma_wait3A_74 : memref<128xf32, #tpu.memory_space<vmem>>)
    %dma_wait3A_79 = arith.constant 128 : i32
    %dma_wait3A_80 = tpu.memref_slice %arg10[%dma_wait3A_79] : memref<512xf32, #tpu.memory_space<vmem>> -> memref<128xf32, #tpu.memory_space<vmem>>
    %dma_wait3A_81 = arith.constant 128 : i32
    %dma_wait3A_82 = tpu.memref_slice %arg9[%dma_wait3A_81] : memref<512xi32, #tpu.memory_space<vmem>> -> memref<128xi32, #tpu.memory_space<vmem>>
    %dma_wait3A_83 = arith.constant 0 : i32
    %dma_wait3A_84 = tpu.memref_slice %arg3[%dma_wait3A_83] : memref<1000000xf32, #tpu.memory_space<hbm>> -> memref<1000000xf32, #tpu.memory_space<hbm>>
    tpu.wait_indirect_dma semaphore(%arg13 : memref<!tpu.dma_semaphore, #tpu.memory_space<semaphore_mem>>) src(%dma_wait3A_84 : memref<1000000xf32, #tpu.memory_space<hbm>>) dst(%dma_wait3A_80 : memref<128xf32, #tpu.memory_space<vmem>>)
    %dma_wait3A_85 = arith.constant 256 : i32
    %dma_wait3A_86 = tpu.memref_slice %arg10[%dma_wait3A_85] : memref<512xf32, #tpu.memory_space<vmem>> -> memref<128xf32, #tpu.memory_space<vmem>>
    %dma_wait3A_87 = arith.constant 256 : i32
    %dma_wait3A_88 = tpu.memref_slice %arg9[%dma_wait3A_87] : memref<512xi32, #tpu.memory_space<vmem>> -> memref<128xi32, #tpu.memory_space<vmem>>
    %dma_wait3A_89 = arith.constant 0 : i32
    %dma_wait3A_90 = tpu.memref_slice %arg3[%dma_wait3A_89] : memref<1000000xf32, #tpu.memory_space<hbm>> -> memref<1000000xf32, #tpu.memory_space<hbm>>
    tpu.wait_indirect_dma semaphore(%arg13 : memref<!tpu.dma_semaphore, #tpu.memory_space<semaphore_mem>>) src(%dma_wait3A_90 : memref<1000000xf32, #tpu.memory_space<hbm>>) dst(%dma_wait3A_86 : memref<128xf32, #tpu.memory_space<vmem>>)
    %dma_wait3A_91 = arith.constant 384 : i32
    %dma_wait3A_92 = tpu.memref_slice %arg10[%dma_wait3A_91] : memref<512xf32, #tpu.memory_space<vmem>> -> memref<128xf32, #tpu.memory_space<vmem>>
    %dma_wait3A_93 = arith.constant 384 : i32
    %dma_wait3A_94 = tpu.memref_slice %arg9[%dma_wait3A_93] : memref<512xi32, #tpu.memory_space<vmem>> -> memref<128xi32, #tpu.memory_space<vmem>>
    %dma_wait3A_95 = arith.constant 0 : i32
    %dma_wait3A_96 = tpu.memref_slice %arg3[%dma_wait3A_95] : memref<1000000xf32, #tpu.memory_space<hbm>> -> memref<1000000xf32, #tpu.memory_space<hbm>>
    tpu.wait_indirect_dma semaphore(%arg13 : memref<!tpu.dma_semaphore, #tpu.memory_space<semaphore_mem>>) src(%dma_wait3A_96 : memref<1000000xf32, #tpu.memory_space<hbm>>) dst(%dma_wait3A_92 : memref<128xf32, #tpu.memory_space<vmem>>)
    %dma_wait3A_97 = arith.constant 0 : i32
    %dma_wait3A_98 = tpu.memref_slice %arg11[%dma_wait3A_97] : memref<512xf32, #tpu.memory_space<vmem>> -> memref<128xf32, #tpu.memory_space<vmem>>
    %dma_wait3A_99 = arith.constant 0 : i32
    %dma_wait3A_100 = tpu.memref_slice %arg9[%dma_wait3A_99] : memref<512xi32, #tpu.memory_space<vmem>> -> memref<128xi32, #tpu.memory_space<vmem>>
    %dma_wait3A_101 = arith.constant 0 : i32
    %dma_wait3A_102 = tpu.memref_slice %arg4[%dma_wait3A_101] : memref<1000000xf32, #tpu.memory_space<hbm>> -> memref<1000000xf32, #tpu.memory_space<hbm>>
    tpu.wait_indirect_dma semaphore(%arg13 : memref<!tpu.dma_semaphore, #tpu.memory_space<semaphore_mem>>) src(%dma_wait3A_102 : memref<1000000xf32, #tpu.memory_space<hbm>>) dst(%dma_wait3A_98 : memref<128xf32, #tpu.memory_space<vmem>>)
    %dma_wait3A_103 = arith.constant 128 : i32
    %dma_wait3A_104 = tpu.memref_slice %arg11[%dma_wait3A_103] : memref<512xf32, #tpu.memory_space<vmem>> -> memref<128xf32, #tpu.memory_space<vmem>>
    %dma_wait3A_105 = arith.constant 128 : i32
    %dma_wait3A_106 = tpu.memref_slice %arg9[%dma_wait3A_105] : memref<512xi32, #tpu.memory_space<vmem>> -> memref<128xi32, #tpu.memory_space<vmem>>
    %dma_wait3A_107 = arith.constant 0 : i32
    %dma_wait3A_108 = tpu.memref_slice %arg4[%dma_wait3A_107] : memref<1000000xf32, #tpu.memory_space<hbm>> -> memref<1000000xf32, #tpu.memory_space<hbm>>
    tpu.wait_indirect_dma semaphore(%arg13 : memref<!tpu.dma_semaphore, #tpu.memory_space<semaphore_mem>>) src(%dma_wait3A_108 : memref<1000000xf32, #tpu.memory_space<hbm>>) dst(%dma_wait3A_104 : memref<128xf32, #tpu.memory_space<vmem>>)
    %dma_wait3A_109 = arith.constant 256 : i32
    %dma_wait3A_110 = tpu.memref_slice %arg11[%dma_wait3A_109] : memref<512xf32, #tpu.memory_space<vmem>> -> memref<128xf32, #tpu.memory_space<vmem>>
    %dma_wait3A_111 = arith.constant 256 : i32
    %dma_wait3A_112 = tpu.memref_slice %arg9[%dma_wait3A_111] : memref<512xi32, #tpu.memory_space<vmem>> -> memref<128xi32, #tpu.memory_space<vmem>>
    %dma_wait3A_113 = arith.constant 0 : i32
    %dma_wait3A_114 = tpu.memref_slice %arg4[%dma_wait3A_113] : memref<1000000xf32, #tpu.memory_space<hbm>> -> memref<1000000xf32, #tpu.memory_space<hbm>>
    tpu.wait_indirect_dma semaphore(%arg13 : memref<!tpu.dma_semaphore, #tpu.memory_space<semaphore_mem>>) src(%dma_wait3A_114 : memref<1000000xf32, #tpu.memory_space<hbm>>) dst(%dma_wait3A_110 : memref<128xf32, #tpu.memory_space<vmem>>)
    %dma_wait3A_115 = arith.constant 384 : i32
    %dma_wait3A_116 = tpu.memref_slice %arg11[%dma_wait3A_115] : memref<512xf32, #tpu.memory_space<vmem>> -> memref<128xf32, #tpu.memory_space<vmem>>
    %dma_wait3A_117 = arith.constant 384 : i32
    %dma_wait3A_118 = tpu.memref_slice %arg9[%dma_wait3A_117] : memref<512xi32, #tpu.memory_space<vmem>> -> memref<128xi32, #tpu.memory_space<vmem>>
    %dma_wait3A_119 = arith.constant 0 : i32
    %dma_wait3A_120 = tpu.memref_slice %arg4[%dma_wait3A_119] : memref<1000000xf32, #tpu.memory_space<hbm>> -> memref<1000000xf32, #tpu.memory_space<hbm>>
    tpu.wait_indirect_dma semaphore(%arg13 : memref<!tpu.dma_semaphore, #tpu.memory_space<semaphore_mem>>) src(%dma_wait3A_120 : memref<1000000xf32, #tpu.memory_space<hbm>>) dst(%dma_wait3A_116 : memref<128xf32, #tpu.memory_space<vmem>>)
    %dma_wait3A_121 = arith.constant 0 : i32
    %dma_wait3A_122 = tpu.memref_slice %arg12[%dma_wait3A_121] : memref<512xf32, #tpu.memory_space<vmem>> -> memref<128xf32, #tpu.memory_space<vmem>>
    %dma_wait3A_123 = arith.constant 0 : i32
    %dma_wait3A_124 = tpu.memref_slice %arg9[%dma_wait3A_123] : memref<512xi32, #tpu.memory_space<vmem>> -> memref<128xi32, #tpu.memory_space<vmem>>
    %dma_wait3A_125 = arith.constant 0 : i32
    %dma_wait3A_126 = tpu.memref_slice %arg5[%dma_wait3A_125] : memref<1000000xf32, #tpu.memory_space<hbm>> -> memref<1000000xf32, #tpu.memory_space<hbm>>
    tpu.wait_indirect_dma semaphore(%arg13 : memref<!tpu.dma_semaphore, #tpu.memory_space<semaphore_mem>>) src(%dma_wait3A_126 : memref<1000000xf32, #tpu.memory_space<hbm>>) dst(%dma_wait3A_122 : memref<128xf32, #tpu.memory_space<vmem>>)
    %dma_wait3A_127 = arith.constant 128 : i32
    %dma_wait3A_128 = tpu.memref_slice %arg12[%dma_wait3A_127] : memref<512xf32, #tpu.memory_space<vmem>> -> memref<128xf32, #tpu.memory_space<vmem>>
    %dma_wait3A_129 = arith.constant 128 : i32
    %dma_wait3A_130 = tpu.memref_slice %arg9[%dma_wait3A_129] : memref<512xi32, #tpu.memory_space<vmem>> -> memref<128xi32, #tpu.memory_space<vmem>>
    %dma_wait3A_131 = arith.constant 0 : i32
    %dma_wait3A_132 = tpu.memref_slice %arg5[%dma_wait3A_131] : memref<1000000xf32, #tpu.memory_space<hbm>> -> memref<1000000xf32, #tpu.memory_space<hbm>>
    tpu.wait_indirect_dma semaphore(%arg13 : memref<!tpu.dma_semaphore, #tpu.memory_space<semaphore_mem>>) src(%dma_wait3A_132 : memref<1000000xf32, #tpu.memory_space<hbm>>) dst(%dma_wait3A_128 : memref<128xf32, #tpu.memory_space<vmem>>)
    %dma_wait3A_133 = arith.constant 256 : i32
    %dma_wait3A_134 = tpu.memref_slice %arg12[%dma_wait3A_133] : memref<512xf32, #tpu.memory_space<vmem>> -> memref<128xf32, #tpu.memory_space<vmem>>
    %dma_wait3A_135 = arith.constant 256 : i32
    %dma_wait3A_136 = tpu.memref_slice %arg9[%dma_wait3A_135] : memref<512xi32, #tpu.memory_space<vmem>> -> memref<128xi32, #tpu.memory_space<vmem>>
    %dma_wait3A_137 = arith.constant 0 : i32
    %dma_wait3A_138 = tpu.memref_slice %arg5[%dma_wait3A_137] : memref<1000000xf32, #tpu.memory_space<hbm>> -> memref<1000000xf32, #tpu.memory_space<hbm>>
    tpu.wait_indirect_dma semaphore(%arg13 : memref<!tpu.dma_semaphore, #tpu.memory_space<semaphore_mem>>) src(%dma_wait3A_138 : memref<1000000xf32, #tpu.memory_space<hbm>>) dst(%dma_wait3A_134 : memref<128xf32, #tpu.memory_space<vmem>>)
    %dma_wait3A_139 = arith.constant 384 : i32
    %dma_wait3A_140 = tpu.memref_slice %arg12[%dma_wait3A_139] : memref<512xf32, #tpu.memory_space<vmem>> -> memref<128xf32, #tpu.memory_space<vmem>>
    %dma_wait3A_141 = arith.constant 384 : i32
    %dma_wait3A_142 = tpu.memref_slice %arg9[%dma_wait3A_141] : memref<512xi32, #tpu.memory_space<vmem>> -> memref<128xi32, #tpu.memory_space<vmem>>
    %dma_wait3A_143 = arith.constant 0 : i32
    %dma_wait3A_144 = tpu.memref_slice %arg5[%dma_wait3A_143] : memref<1000000xf32, #tpu.memory_space<hbm>> -> memref<1000000xf32, #tpu.memory_space<hbm>>
    tpu.wait_indirect_dma semaphore(%arg13 : memref<!tpu.dma_semaphore, #tpu.memory_space<semaphore_mem>>) src(%dma_wait3A_144 : memref<1000000xf32, #tpu.memory_space<hbm>>) dst(%dma_wait3A_140 : memref<128xf32, #tpu.memory_space<vmem>>)
    "tpu.region"() ({
      %run_scoped3A = tpu.sem_alloc : memref<!tpu.dma_semaphore, #tpu.memory_space<semaphore_mem>>
      %dma_start3A_145 = tpu.memref_slice %arg6[%mul3A_2] : memref<16384xf32, #tpu.memory_space<hbm>> -> memref<512xf32, #tpu.memory_space<hbm>>
      %dma_start3A_146 = tpu.memref_slice %arg6[%mul3A_2] : memref<16384xf32, #tpu.memory_space<hbm>> -> memref<512xf32, #tpu.memory_space<hbm>>
      tpu.enqueue_dma source(%arg10 : memref<512xf32, #tpu.memory_space<vmem>>) target(%dma_start3A_146 : memref<512xf32, #tpu.memory_space<hbm>>) target_semaphore(%run_scoped3A : memref<!tpu.dma_semaphore, #tpu.memory_space<semaphore_mem>>)
      %dma_wait3A_147 = tpu.memref_slice %arg6[%mul3A_2] : memref<16384xf32, #tpu.memory_space<hbm>> -> memref<512xf32, #tpu.memory_space<hbm>>
      %dma_wait3A_148 = tpu.memref_slice %arg6[%mul3A_2] : memref<16384xf32, #tpu.memory_space<hbm>> -> memref<512xf32, #tpu.memory_space<hbm>>
      tpu.wait_dma2 semaphore(%run_scoped3A : memref<!tpu.dma_semaphore, #tpu.memory_space<semaphore_mem>>) src(%arg10 : memref<512xf32, #tpu.memory_space<vmem>>) dst(%dma_wait3A_148 : memref<512xf32, #tpu.memory_space<hbm>>)
      tpu.yield
    }) : () -> ()
    "tpu.region"() ({
      %run_scoped3A = tpu.sem_alloc : memref<!tpu.dma_semaphore, #tpu.memory_space<semaphore_mem>>
      %dma_start3A_145 = tpu.memref_slice %arg7[%mul3A_2] : memref<16384xf32, #tpu.memory_space<hbm>> -> memref<512xf32, #tpu.memory_space<hbm>>
      %dma_start3A_146 = tpu.memref_slice %arg7[%mul3A_2] : memref<16384xf32, #tpu.memory_space<hbm>> -> memref<512xf32, #tpu.memory_space<hbm>>
      tpu.enqueue_dma source(%arg11 : memref<512xf32, #tpu.memory_space<vmem>>) target(%dma_start3A_146 : memref<512xf32, #tpu.memory_space<hbm>>) target_semaphore(%run_scoped3A : memref<!tpu.dma_semaphore, #tpu.memory_space<semaphore_mem>>)
      %dma_wait3A_147 = tpu.memref_slice %arg7[%mul3A_2] : memref<16384xf32, #tpu.memory_space<hbm>> -> memref<512xf32, #tpu.memory_space<hbm>>
      %dma_wait3A_148 = tpu.memref_slice %arg7[%mul3A_2] : memref<16384xf32, #tpu.memory_space<hbm>> -> memref<512xf32, #tpu.memory_space<hbm>>
      tpu.wait_dma2 semaphore(%run_scoped3A : memref<!tpu.dma_semaphore, #tpu.memory_space<semaphore_mem>>) src(%arg11 : memref<512xf32, #tpu.memory_space<vmem>>) dst(%dma_wait3A_148 : memref<512xf32, #tpu.memory_space<hbm>>)
      tpu.yield
    }) : () -> ()
    "tpu.region"() ({
      %run_scoped3A = tpu.sem_alloc : memref<!tpu.dma_semaphore, #tpu.memory_space<semaphore_mem>>
      %dma_start3A_145 = tpu.memref_slice %arg8[%mul3A_2] : memref<16384xf32, #tpu.memory_space<hbm>> -> memref<512xf32, #tpu.memory_space<hbm>>
      %dma_start3A_146 = tpu.memref_slice %arg8[%mul3A_2] : memref<16384xf32, #tpu.memory_space<hbm>> -> memref<512xf32, #tpu.memory_space<hbm>>
      tpu.enqueue_dma source(%arg12 : memref<512xf32, #tpu.memory_space<vmem>>) target(%dma_start3A_146 : memref<512xf32, #tpu.memory_space<hbm>>) target_semaphore(%run_scoped3A : memref<!tpu.dma_semaphore, #tpu.memory_space<semaphore_mem>>)
      %dma_wait3A_147 = tpu.memref_slice %arg8[%mul3A_2] : memref<16384xf32, #tpu.memory_space<hbm>> -> memref<512xf32, #tpu.memory_space<hbm>>
      %dma_wait3A_148 = tpu.memref_slice %arg8[%mul3A_2] : memref<16384xf32, #tpu.memory_space<hbm>> -> memref<512xf32, #tpu.memory_space<hbm>>
      tpu.wait_dma2 semaphore(%run_scoped3A : memref<!tpu.dma_semaphore, #tpu.memory_space<semaphore_mem>>) src(%arg12 : memref<512xf32, #tpu.memory_space<vmem>>) dst(%dma_wait3A_148 : memref<512xf32, #tpu.memory_space<hbm>>)
      tpu.yield
    }) : () -> ()
    return
  }
}

</mosaic_0001>

<sc_bundles>
// kernel: kernel.3.cloned.1.call-start
scs
__scs_entry_jumppad:
0x0: {  	(pc) =	sbr.rel $0x88, $3  }
0x1: {  	(tag) =	ssettag $0x0;
	lr =	simm.s32 $0x1  }
0x2: {  	[smem:$0x3F9D] =	sst lr;
	_ =	strace $0xD0000000  }
0x3: {  	_ = 	snop  }
0x4: {  	_ = 	snop  }
0x5: {  	_ = 	snop  }
0x6: {  	_ = 	snop  }
0x7: {  	_ = 	snop  }
__scs_overlays_trampoline_lowered:
0x8: {  	[smem:$0x3FAC] =	sst s0  }
0x9: {  	[smem:$0x3FAD] =	sst s1  }
0xa: {  	[smem:$0x3FAE] =	sst s2  }
0xb: {  	[smem:$0x3FAF] =	sst s3  }
0xc: {  	[smem:$0x3FB0] =	sst s4  }
0xd: {  	[smem:$0x3FB1] =	sst s5  }
0xe: {  	[smem:$0x3FB2] =	sst s6  }
0xf: {  	[smem:$0x3FB3] =	sst s7  }
0x10: {  	[smem:$0x3FB4] =	sst s8  }
0x11: {  	[smem:$0x3FB5] =	sst s9;
	s0 =	simm.s32 @!p0 $0x0  }
0x12: {  	s1 =	sld [smem:$0x3F9B];
	s0 =	simm.s32 @p0 $0x1  }
0x13: {  	[smem:$0x3FB6] =	sst s0;
	s0 =	simm.s32 @!p1 $0x0  }
0x14: {  	s2 =	sld [smem:$0x3F9A];
	s0 =	simm.s32 @p1 $0x1  }
0x15: {  	[smem:$0x3FB7] =	sst s0;
	s0 =	simm.s32 @!p2 $0x0  }
0x16: {  	s3 =	sld [smem:$0x3FDB];
	s0 =	simm.s32 @p2 $0x1  }
0x17: {  	s4 =	simm.s32 $0x1BF5;
	[smem:$0x3FB9] =	sst s0  }
0x18: {  	s0 =	sld [smem:$0x3F9C];
	_ =	swait.ge [sflag:s4], $0x0  }
0x19: {  	s7 =	sld [smem:$0x3F9D]  }
0x1a: {  	s8 =	sadd.s32 $0xFFFFE003, lr  }
0x1b: {  	s9 =	sadd.s32 $0xFFFFFEF7, lr;
	s5 =	simm.s32 $0xFFFFFFFF;
	p2 =	slt.u32 s8, $0xFFFFF086  }
0x1c: {  	p1 =	slt.u32 s9, $0xF7A;
	s5 =	simm.s32 @!p2 $0x0  }
0x1d: {  	s5 =	simm.s32 @p1 $0x1;
	p0 =	seq.s32 s7, s2  }
0x1e: {  	s7 =	smul.u32 @!p0 $0xF7A, s2;
	p2 =	seq.s32 @!p0 s5, $0x0  }
0x1f: {  	s9 =	smul.u32 $0xF7A, s1;
	s8 =	simm.s32 @!p0 $0x1BF5;
	p2 =	por !p2, p0  }
0x20: {  	[sflag:s8] =	ssyncset.s32 @!p0 $0xFFFFF086;
	s6 =	sadd.s32 @!p0 s3, s7;
	s7 =	simm.s32 @!p0 $0x108  }
0x21: {  	s3 =	sadd.s32 s3, s9;
	s6 =	sadd.s32 @!p0 $0x88, s6;
	s7 =	simm.s32 @p2 $0x1082  }
0x22: {  	[simem:s7], [sflag:s8] =	dma.local @!p0 [hbm:s6], $0xF7A  }
0x23: {  	s9 =	sor.u32 $0xD0000000, s2;
	s6 =	simm.s32 $0x108;
	_ =	swait.ge @!p0 [sflag:s8], $0x0  }
0x24: {  	s3 =	sadd.s32 $0x88, s3;
	s6 =	simm.s32 @!p1 $0x1082;
	[sflag:s4] =	ssyncset.s32 $0xFFFFF086  }
0x25: {  	[simem:s6], [sflag:s4] =	dma.local [hbm:s3], $0xF7A  }
0x26: {  	[smem:$0x3F9D] =	sst s1;
	(tag) =	ssettag s2;
	_ =	strace s9  }
0x27: {  	s1 =	sld [smem:$0x3FAD]  }
0x28: {  	s2 =	sld [smem:$0x3FAE]  }
0x29: {  	s4 =	sld [smem:$0x3FB0]  }
0x2a: {  	p0 =	seq.s32 s5, $0x0;
	s5 =	sld [smem:$0x3FB1]  }
0x2b: {  	s6 =	sld [smem:$0x3FB2]  }
0x2c: {  	s7 =	sld [smem:$0x3FB3]  }
0x2d: {  	s3 =	simm.s32 $0x108;
	s8 =	sld [smem:$0x3FB4]  }
0x2e: {  	s3 =	simm.s32 @!p0 $0x1082;
	s9 =	sld [smem:$0x3FB5]  }
0x2f: {  	lr =	sadd.s32 s0, s3;
	s0 =	sld [smem:$0x3FAC]  }
0x30: {  	s3 =	sld [smem:$0x3FAF]  }
0x31: {  	[smem:$0x3FB8] =	sst s10  }
0x32: {  	s10 =	sld [smem:$0x3FB6];
	_ =	sdelay $0x3  }
0x33: {  	p0 =	seq.s32 s10, $0x1;
	s10 =	sld [smem:$0x3FB8];
	_ =	sdelay $0x3  }
0x34: {  	[smem:$0x3FB8] =	sst s10  }
0x35: {  	s10 =	sld [smem:$0x3FB7];
	_ =	sdelay $0x3  }
0x36: {  	p1 =	seq.s32 s10, $0x1;
	s10 =	sld [smem:$0x3FB8];
	_ =	sdelay $0x3  }
0x37: {  	[smem:$0x3FB8] =	sst s10  }
0x38: {  	s10 =	sld [smem:$0x3FB9]  }
0x39: {  	_ = 	snop;
	(pc) =	sbr.ind lr, $3  }
0x3a: {  	_ = 	snop  }
0x3b: {  	_ = 	snop  }
0x3c: {  	p2 =	seq.s32 s10, $0x1;
	s10 =	sld [smem:$0x3FB8]  }
0x3d: {  	_ =	shalt  }
0x3e: {  	_ =	shalt  }
0x3f: {  	_ =	shalt  }
0x40: {  	_ =	shalt  }
0x41: {  	_ =	shalt  }
0x42: {  	_ =	shalt  }
0x43: {  	_ =	shalt  }
0x44: {  	_ =	shalt  }
0x45: {  	_ =	shalt  }
0x46: {  	_ =	shalt  }
0x47: {  	_ =	shalt  }
0x48: {  	_ =	shalt  }
0x49: {  	_ =	shalt  }
0x4a: {  	_ =	shalt  }
0x4b: {  	_ =	shalt  }
0x4c: {  	_ =	shalt  }
0x4d: {  	_ =	shalt  }
0x4e: {  	_ =	shalt  }
0x4f: {  	_ =	shalt  }
0x50: {  	_ =	shalt  }
0x51: {  	_ =	shalt  }
0x52: {  	_ =	shalt  }
0x53: {  	_ =	shalt  }
0x54: {  	_ =	shalt  }
0x55: {  	_ =	shalt  }
0x56: {  	_ =	shalt  }
0x57: {  	_ =	shalt  }
0x58: {  	_ =	shalt  }
0x59: {  	_ =	shalt  }
0x5a: {  	_ =	shalt  }
0x5b: {  	_ =	shalt  }
0x5c: {  	_ =	shalt  }
0x5d: {  	_ =	shalt  }
0x5e: {  	_ =	shalt  }
0x5f: {  	_ =	shalt  }
0x60: {  	_ =	shalt  }
0x61: {  	_ =	shalt  }
0x62: {  	_ =	shalt  }
0x63: {  	_ =	shalt  }
0x64: {  	_ =	shalt  }
0x65: {  	_ =	shalt  }
0x66: {  	_ =	shalt  }
0x67: {  	_ =	shalt  }
0x68: {  	_ =	shalt  }
0x69: {  	_ =	shalt  }
0x6a: {  	_ =	shalt  }
0x6b: {  	_ =	shalt  }
0x6c: {  	_ =	shalt  }
0x6d: {  	_ =	shalt  }
0x6e: {  	_ =	shalt  }
0x6f: {  	_ =	shalt  }
0x70: {  	_ =	shalt  }
0x71: {  	_ =	shalt  }
0x72: {  	_ =	shalt  }
0x73: {  	_ =	shalt  }
0x74: {  	_ =	shalt  }
0x75: {  	_ =	shalt  }
0x76: {  	_ =	shalt  }
0x77: {  	_ =	shalt  }
0x78: {  	_ =	shalt  }
0x79: {  	_ =	shalt  }
0x7a: {  	_ =	shalt  }
0x7b: {  	_ =	shalt  }
0x7c: {  	_ =	shalt  }
0x7d: {  	_ =	shalt  }
0x7e: {  	_ =	shalt  }
0x7f: {  	_ =	shalt  }
0x80: {  	_ =	shalt  }
0x81: {  	_ =	shalt  }
0x82: {  	_ =	shalt  }
0x83: {  	_ =	shalt  }
0x84: {  	_ =	shalt  }
0x85: {  	_ =	shalt  }
0x86: {  	_ =	shalt  }
0x87: {  	_ =	shalt  }
.Lfunc_end0:
.L_simem_size_0:
called_computation_lowered:
.L_overlay_start_0:
0x88: {  	s2 =	sld [smem:$0x3FD9]  }
0x89: {  	s3 =	sld [smem:$0x3FFE];
	_ =	sdelay $0x1  }
0x8a: {  	s1 =	srdreg.scid  }
0x8b: {  	s0 =	sand.u32 $0x1, s1  }
0x8c: {  	s17 =	sshll.u32 s0, $0xA;
	s2 =	sadd.s32 s3, s2  }
0x8d: {  	s2 =	sadd.s32 s2, s17  }
0x8e: {  	[smem:$0x3FC4] =	sst s2  }
0x8f: {  	_ = 	snop  }
0x90: {  	s2 =	sld [smem:$0x3FC9];
	(tm) =	ssettm $0x1  }
0x91: {  	s18 =	sld [smem:$0x3FFB];
	_ =	sdelay $0x3  }
0x92: {  	_ =	strace s18  }
0x93: {  	s3 =	sld [smem:$0x3FFC];
	_ =	sdelay $0x3  }
0x94: {  	_ =	strace s3  }
0x95: {  	s3 =	sld [smem:$0x3FFD];
	_ =	sdelay $0x3  }
0x96: {  	_ =	strace s3  }
0x97: {  	_ =	strace $0x8FFFFFFF  }
0x98: {  	s19 =	sld [smem:$0x3FDB];
	_ =	sdelay $0x1  }
0x99: {  	s4 =	simm.s32 $_scs_section_size  }
0x9a: {  	s5 =	simm.s32 $_size__tile_overlayer_lowered;
	s6 =	simm.s32 $_tile_overlayer_lowered  }
0x9b: {  	s22 =	simm.s32 $0x1BFF;
	s21 =	sshll.u32 s6, $0x1;
	s3 =	sadd.s32 s4, s19  }
0x9c: {  	s7 =	simm.s32 $0x0;
	s20 =	sshll.u32 s5, $0x1;
	s5 =	sadd.s32 s21, s3  }
0x9d: {  	[timem:s7], [sflag:s22] =	dma.local [hbm:s5], s20  }
0x9e: {  	_ =	swait.ge [sflag:s22], s20  }
0x9f: {  	s4 =	ssub.s32 $0x0, s20;
	[sflag:s22] =	ssyncset.done $0x0  }
0xa0: {  	[sflag:s22] =	ssyncadd.s32 s4;
	_ =	sdelay $0x1  }
0xa1: {  	s23 =	simm.s32 $0x1B8B  }
0xa2: {  	_ =	swait.ge [sflag:s23], $0x1  }
0xa3: {  	[sflag:s23] =	ssyncset.done $0x0  }
0xa4: {  	s25 =	simm.s32 $0x1B8E;
	s24 =	sld [smem:$0x3FFE];
	[sflag:s23] =	ssyncadd.s32 $0xFFFFFFFF  }
0xa5: {  	s26 =	simm.s32 $execute0_lowered;
	[smem:$0x3FD2] =	sst s25  }
0xa6: {  	s5 =	sshll.u32 s26, $0x1;
	_ =	strace $0x80000046;
	[dreg:$0x1] =	wrdreg $0xFFFFFFFF  }
0xa7: {  	s28 =	simm.s32 $_size_execute0_lowered;
	s3 =	sadd.s32 s3, s5;
	[dreg:$0x0] =	wrdreg $0x0  }
0xa8: {  	s5 =	sshll.u32 s28, $0x1;
	[dreg:$0x2] =	wrdreg s3  }
0xa9: {  	[dreg:$0x3] =	wrdreg s5  }
0xaa: {  	[dreg:$0x4] =	wrdreg $0xC0  }
0xab: {  	_ =	task [dreg:s7], $0x5FFFF  }
0xac: {  	[dreg:$0x1] =	wrdreg $0xFFFFFFFF  }
0xad: {  	[dreg:$0x0] =	wrdreg $0x60  }
0xae: {  	[dreg:$0x2] =	wrdreg s2  }
0xaf: {  	[dreg:$0x3] =	wrdreg s24  }
0xb0: {  	[dreg:$0x4] =	wrdreg $0x9  }
0xb1: {  	_ =	task.clear_ibuf [dreg:s7], $0x5FFFF;
	_ =	strace $0x90000046  }
0xb2: {  	s29 =	simm.s32 $0x9;
	_ =	strace $0x80000048  }
0xb3: {  	_ =	swait.ge [sflag:s29], $0x1  }
0xb4: {  	[sflag:s29] =	ssyncadd.s32 $0xFFFFFFFF  }
0xb5: {  	_ =	strace $0x90000048  }
0xb6: {  	_ =	sfence  }
0xb7: {  	s30 =	sld [smem:$0x0];
	_ =	sdelay $0x2  }
0xb8: {  	s31 =	sshll.u32 s1, $0xD;
	s1 =	sshrl.u32 s1, $0x2  }
0xb9: {  	s3 =	sand.u32 $0x4000, s31;
	s1 =	sadd.s32 s1, s30  }
0xba: {  	s0 =	sor.u32 s3, s0;
	s1 =	sshll.u32 s1, $0x11  }
0xbb: {  	s0 =	sor.u32 s1, s0  }
0xbc: {  	s0 =	sadd.s32 $0x8F2B, s0  }
0xbd: {  	[sflag:s0] =	ssyncadd.remote.s32 $0x1  }
0xbe: {  	_ =	sfence.sel $0xFFFF  }
0xbf: {  	[dreg:$0x0] =	wrdreg $0xFFFFFFFF;
	(pc) =	sbr.abs _section_cstart, $3  }
0xc0: {  	[dreg:$0x1] =	wrdreg $0xFFFFFFFF  }
0xc1: {  	_ =	task.clear_ibuf [dreg:s7], $0x2FFFF;
	_ =	strace $0x9FFFFFFF  }
0xc2: {  	(tm) =	ssettm $0x7FFFFFFF  }
0xc3: {  	_ =	shalt  }
tec
execute0_lowered:
.L_overlay_start_1:
0x0: {  	(tag) =	ssettag $0x1  }
0x1: {  	s4 =	rddreg [dreg:$0x0]  }
0x2: {  	s2 =	rddreg [dreg:$0x1];
	s3 =	srdreg.scid  }
0x3: {  	s0 =	rddreg [dreg:$0x2];
	s1 =	stileid.u32;
	s25 =	sand.u32 $0x1, s3  }
0x4: {  	s3 =	simm.s32 $0x0;
	s5 =	sshll.u32 s1, $0x7;
	s6 =	sshll.u32 s25, $0x6  }
0x5: {  	[smem:$0x7FF] =	sst s3;
	s24 =	sor.u32 s6, s5  }
0x6: {  	_ =	strace $0x80000047;
	s5 =	sadd.s32 s4, s24;
	s4 =	simm.s32 $0x2  }
0x7: {  	[tilespmem:s3], [sflag:$0x2] =	stream.linear.gather [hbm4b:s5+s3], $0x200, $0x38;
	[tilespmem:$0x800] =	vst v63  }
0x8: {  	_ =	swait.ge [sflag:s4], $0x200  }
0x9: {  	[sflag:s4] =	ssyncset.done $0x0  }
0xa: {  	s7 =	simm.s32 $0x200;
	s6 =	simm.s32 $0x80;
	[sflag:s4] =	ssyncadd.s32 $0xFFFFFE00  }
0xb: {  	[tilespmem:s7], [sflag:$0x1] =	stream.indirect.gather [hbm4b:s2+s6], $0x1, s3, s6, $0xb8;
	[tilespmem:$0x800] =	vst v63  }
0xc: {  	s8 =	simm.s32 $0x280  }
0xd: {  	[tilespmem:s8], [sflag:$0x1] =	stream.indirect.gather [hbm4b:s2+s6], $0x1, s6, s6, $0xb8;
	[tilespmem:$0x800] =	vst v63  }
0xe: {  	s9 =	simm.s32 $0x100;
	s10 =	simm.s32 $0x300  }
0xf: {  	[tilespmem:s10], [sflag:$0x1] =	stream.indirect.gather [hbm4b:s2+s6], $0x1, s9, s6, $0xb8;
	[tilespmem:$0x800] =	vst v63  }
0x10: {  	s11 =	simm.s32 $0x180;
	s12 =	simm.s32 $0x380  }
0x11: {  	[tilespmem:s12], [sflag:$0x1] =	stream.indirect.gather [hbm4b:s2+s6], $0x1, s11, s6, $0xb8;
	[tilespmem:$0x800] =	vst v63  }
0x12: {  	s14 =	simm.s32 $0x400;
	s13 =	sadd.s32 $0x1EA00, s2  }
0x13: {  	[tilespmem:s14], [sflag:$0x1] =	stream.indirect.gather [hbm4b:s13+s6], $0x1, s3, s6, $0xb8;
	[tilespmem:$0x800] =	vst v63  }
0x14: {  	s15 =	simm.s32 $0x480  }
0x15: {  	[tilespmem:s15], [sflag:$0x1] =	stream.indirect.gather [hbm4b:s13+s6], $0x1, s6, s6, $0xb8;
	[tilespmem:$0x800] =	vst v63  }
0x16: {  	s16 =	simm.s32 $0x500  }
0x17: {  	[tilespmem:s16], [sflag:$0x1] =	stream.indirect.gather [hbm4b:s13+s6], $0x1, s9, s6, $0xb8;
	[tilespmem:$0x800] =	vst v63  }
0x18: {  	s17 =	simm.s32 $0x580  }
0x19: {  	[tilespmem:s17], [sflag:$0x1] =	stream.indirect.gather [hbm4b:s13+s6], $0x1, s11, s6, $0xb8;
	[tilespmem:$0x800] =	vst v63  }
0x1a: {  	s19 =	simm.s32 $0x600;
	s18 =	sadd.s32 $0x3D400, s2  }
0x1b: {  	[tilespmem:s19], [sflag:$0x1] =	stream.indirect.gather [hbm4b:s18+s6], $0x1, s3, s6, $0xb8;
	[tilespmem:$0x800] =	vst v63  }
0x1c: {  	s20 =	simm.s32 $0x680  }
0x1d: {  	[tilespmem:s20], [sflag:$0x1] =	stream.indirect.gather [hbm4b:s18+s6], $0x1, s6, s6, $0xb8;
	[tilespmem:$0x800] =	vst v63  }
0x1e: {  	s21 =	simm.s32 $0x700  }
0x1f: {  	[tilespmem:s21], [sflag:$0x1] =	stream.indirect.gather [hbm4b:s18+s6], $0x1, s9, s6, $0xb8;
	[tilespmem:$0x800] =	vst v63  }
0x20: {  	s22 =	simm.s32 $0x780;
	s23 =	simm.s32 $0x1  }
0x21: {  	[tilespmem:s22], [sflag:$0x1] =	stream.indirect.gather [hbm4b:s18+s6], $0x1, s11, s6, $0xb8;
	[tilespmem:$0x800] =	vst v63  }
0x22: {  	_ =	swait.ge [sflag:s23], $0x80  }
0x23: {  	[sflag:s23] =	ssyncset.done $0x0  }
0x24: {  	[sflag:s23] =	ssyncadd.s32 $0xFFFFFF80  }
0x25: {  	_ =	swait.ge [sflag:s23], $0x80  }
0x26: {  	[sflag:s23] =	ssyncset.done $0x0  }
0x27: {  	[sflag:s23] =	ssyncadd.s32 $0xFFFFFF80  }
0x28: {  	_ =	swait.ge [sflag:s23], $0x80  }
0x29: {  	[sflag:s23] =	ssyncset.done $0x0  }
0x2a: {  	[sflag:s23] =	ssyncadd.s32 $0xFFFFFF80  }
0x2b: {  	_ =	swait.ge [sflag:s23], $0x80  }
0x2c: {  	[sflag:s23] =	ssyncset.done $0x0  }
0x2d: {  	[sflag:s23] =	ssyncadd.s32 $0xFFFFFF80  }
0x2e: {  	_ =	swait.ge [sflag:s23], $0x80  }
0x2f: {  	[sflag:s23] =	ssyncset.done $0x0  }
0x30: {  	[sflag:s23] =	ssyncadd.s32 $0xFFFFFF80  }
0x31: {  	_ =	swait.ge [sflag:s23], $0x80  }
0x32: {  	[sflag:s23] =	ssyncset.done $0x0  }
0x33: {  	[sflag:s23] =	ssyncadd.s32 $0xFFFFFF80  }
0x34: {  	_ =	swait.ge [sflag:s23], $0x80  }
0x35: {  	[sflag:s23] =	ssyncset.done $0x0  }
0x36: {  	[sflag:s23] =	ssyncadd.s32 $0xFFFFFF80  }
0x37: {  	_ =	swait.ge [sflag:s23], $0x80  }
0x38: {  	[sflag:s23] =	ssyncset.done $0x0  }
0x39: {  	[sflag:s23] =	ssyncadd.s32 $0xFFFFFF80  }
0x3a: {  	_ =	swait.ge [sflag:s23], $0x80  }
0x3b: {  	[sflag:s23] =	ssyncset.done $0x0  }
0x3c: {  	[sflag:s23] =	ssyncadd.s32 $0xFFFFFF80  }
0x3d: {  	_ =	swait.ge [sflag:s23], $0x80  }
0x3e: {  	[sflag:s23] =	ssyncset.done $0x0  }
0x3f: {  	[sflag:s23] =	ssyncadd.s32 $0xFFFFFF80  }
0x40: {  	_ =	swait.ge [sflag:s23], $0x80  }
0x41: {  	[sflag:s23] =	ssyncset.done $0x0  }
0x42: {  	[sflag:s23] =	ssyncadd.s32 $0xFFFFFF80  }
0x43: {  	_ =	swait.ge [sflag:s23], $0x80  }
0x44: {  	s26 =	sadd.s32 s24, s2;
	[sflag:s23] =	ssyncset.done $0x0  }
0x45: {  	s28 =	ssub.s32 $0x2, s25;
	s24 =	sadd.s32 $0x5BE00, s26;
	[sflag:s23] =	ssyncadd.s32 $0xFFFFFF80  }
0x46: {  	[hbm4b:s24+s3] =	stream.linear.scatter [tilespmem:s7], [sflag:$0x2], $0x200, $0x38;
	[tilespmem:$0x800] =	vst v63  }
0x47: {  	s29 =	sshrl.u32 s28, $0x1;
	_ =	swait.ge [sflag:s4], $0x200  }
0x48: {  	s28 =	ssub.s32 s28, s29;
	[sflag:s4] =	ssyncset.done $0x0  }
0x49: {  	s25 =	sadd.s32 $0x5C600, s26;
	s28 =	smax.u32 s28, $0x1;
	[sflag:s4] =	ssyncadd.s32 $0xFFFFFE00  }
0x4a: {  	[hbm4b:s25+s3] =	stream.linear.scatter [tilespmem:s14], [sflag:$0x2], $0x200, $0x38;
	[tilespmem:$0x800] =	vst v63  }
0x4b: {  	p0 =	sne.s32 s28, $0x1;
	_ =	swait.ge [sflag:s4], $0x200  }
.Ltmp0:
0x4c: {  	[sflag:s4] =	ssyncset.done $0x0;
	(pc) =	sbr.rel @!p0 .LBB2_2-.Ltmp0, $4  }
0x4d: {  	s26 =	sadd.s32 $0x5CE00, s26;
	[sflag:s4] =	ssyncadd.s32 $0xFFFFFE00  }
0x4e: {  	[hbm4b:s26+s3] =	stream.linear.scatter [tilespmem:s19], [sflag:$0x2], $0x200, $0x38;
	[tilespmem:$0x800] =	vst v63  }
0x4f: {  	_ =	swait.ge [sflag:s4], $0x200  }
0x50: {  	s28 =	sadd.s32 $0xFFFFFFFF, s28;
	[sflag:s4] =	ssyncset.done $0x0  }
.LBB2_1:
0x51: {  	p0 =	sne.s32 s28, $0x1;
	s28 =	sadd.s32 $0xFFFFFFFF, s28;
	[sflag:s4] =	ssyncadd.s32 $0xFFFFFE00  }
0x52: {  	[tilespmem:s3], [sflag:$0x2] =	stream.linear.gather [hbm4b:s5+s3], $0x200, $0x38;
	[tilespmem:$0x800] =	vst v63  }
0x53: {  	_ =	swait.ge [sflag:s4], $0x200  }
0x54: {  	[sflag:s4] =	ssyncset.done $0x0  }
0x55: {  	[sflag:s4] =	ssyncadd.s32 $0xFFFFFE00  }
0x56: {  	[tilespmem:s7], [sflag:$0x1] =	stream.indirect.gather [hbm4b:s2+s6], $0x1, s3, s6, $0xb8;
	[tilespmem:$0x800] =	vst v63  }
0x57: {  	_ = 	snop  }
0x58: {  	[tilespmem:s8], [sflag:$0x1] =	stream.indirect.gather [hbm4b:s2+s6], $0x1, s6, s6, $0xb8;
	[tilespmem:$0x800] =	vst v63  }
0x59: {  	_ = 	snop  }
0x5a: {  	[tilespmem:s10], [sflag:$0x1] =	stream.indirect.gather [hbm4b:s2+s6], $0x1, s9, s6, $0xb8;
	[tilespmem:$0x800] =	vst v63  }
0x5b: {  	_ = 	snop  }
0x5c: {  	[tilespmem:s12], [sflag:$0x1] =	stream.indirect.gather [hbm4b:s2+s6], $0x1, s11, s6, $0xb8;
	[tilespmem:$0x800] =	vst v63  }
0x5d: {  	_ = 	snop  }
0x5e: {  	[tilespmem:s14], [sflag:$0x1] =	stream.indirect.gather [hbm4b:s13+s6], $0x1, s3, s6, $0xb8;
	[tilespmem:$0x800] =	vst v63  }
0x5f: {  	_ = 	snop  }
0x60: {  	[tilespmem:s15], [sflag:$0x1] =	stream.indirect.gather [hbm4b:s13+s6], $0x1, s6, s6, $0xb8;
	[tilespmem:$0x800] =	vst v63  }
0x61: {  	_ = 	snop  }
0x62: {  	[tilespmem:s16], [sflag:$0x1] =	stream.indirect.gather [hbm4b:s13+s6], $0x1, s9, s6, $0xb8;
	[tilespmem:$0x800] =	vst v63  }
0x63: {  	_ = 	snop  }
0x64: {  	[tilespmem:s17], [sflag:$0x1] =	stream.indirect.gather [hbm4b:s13+s6], $0x1, s11, s6, $0xb8;
	[tilespmem:$0x800] =	vst v63  }
0x65: {  	_ = 	snop  }
0x66: {  	[tilespmem:s19], [sflag:$0x1] =	stream.indirect.gather [hbm4b:s18+s6], $0x1, s3, s6, $0xb8;
	[tilespmem:$0x800] =	vst v63  }
0x67: {  	_ = 	snop  }
0x68: {  	[tilespmem:s20], [sflag:$0x1] =	stream.indirect.gather [hbm4b:s18+s6], $0x1, s6, s6, $0xb8;
	[tilespmem:$0x800] =	vst v63  }
0x69: {  	_ = 	snop  }
0x6a: {  	[tilespmem:s21], [sflag:$0x1] =	stream.indirect.gather [hbm4b:s18+s6], $0x1, s9, s6, $0xb8;
	[tilespmem:$0x800] =	vst v63  }
0x6b: {  	_ = 	snop  }
0x6c: {  	[tilespmem:s22], [sflag:$0x1] =	stream.indirect.gather [hbm4b:s18+s6], $0x1, s11, s6, $0xb8;
	[tilespmem:$0x800] =	vst v63  }
0x6d: {  	_ =	swait.ge [sflag:s23], $0x80  }
0x6e: {  	[sflag:s23] =	ssyncset.done $0x0  }
0x6f: {  	[sflag:s23] =	ssyncadd.s32 $0xFFFFFF80  }
0x70: {  	_ =	swait.ge [sflag:s23], $0x80  }
0x71: {  	[sflag:s23] =	ssyncset.done $0x0  }
0x72: {  	[sflag:s23] =	ssyncadd.s32 $0xFFFFFF80  }
0x73: {  	_ =	swait.ge [sflag:s23], $0x80  }
0x74: {  	[sflag:s23] =	ssyncset.done $0x0  }
0x75: {  	[sflag:s23] =	ssyncadd.s32 $0xFFFFFF80  }
0x76: {  	_ =	swait.ge [sflag:s23], $0x80  }
0x77: {  	[sflag:s23] =	ssyncset.done $0x0  }
0x78: {  	[sflag:s23] =	ssyncadd.s32 $0xFFFFFF80  }
0x79: {  	_ =	swait.ge [sflag:s23], $0x80  }
0x7a: {  	[sflag:s23] =	ssyncset.done $0x0  }
0x7b: {  	[sflag:s23] =	ssyncadd.s32 $0xFFFFFF80  }
0x7c: {  	_ =	swait.ge [sflag:s23], $0x80  }
0x7d: {  	[sflag:s23] =	ssyncset.done $0x0  }
0x7e: {  	[sflag:s23] =	ssyncadd.s32 $0xFFFFFF80  }
0x7f: {  	_ =	swait.ge [sflag:s23], $0x80  }
0x80: {  	[sflag:s23] =	ssyncset.done $0x0  }
0x81: {  	[sflag:s23] =	ssyncadd.s32 $0xFFFFFF80  }
0x82: {  	_ =	swait.ge [sflag:s23], $0x80  }
0x83: {  	[sflag:s23] =	ssyncset.done $0x0  }
0x84: {  	[sflag:s23] =	ssyncadd.s32 $0xFFFFFF80  }
0x85: {  	_ =	swait.ge [sflag:s23], $0x80  }
0x86: {  	[sflag:s23] =	ssyncset.done $0x0  }
0x87: {  	[sflag:s23] =	ssyncadd.s32 $0xFFFFFF80  }
0x88: {  	_ =	swait.ge [sflag:s23], $0x80  }
0x89: {  	[sflag:s23] =	ssyncset.done $0x0  }
0x8a: {  	[sflag:s23] =	ssyncadd.s32 $0xFFFFFF80  }
0x8b: {  	_ =	swait.ge [sflag:s23], $0x80  }
0x8c: {  	[sflag:s23] =	ssyncset.done $0x0  }
0x8d: {  	[sflag:s23] =	ssyncadd.s32 $0xFFFFFF80  }
0x8e: {  	_ =	swait.ge [sflag:s23], $0x80  }
0x8f: {  	[sflag:s23] =	ssyncset.done $0x0  }
0x90: {  	[sflag:s23] =	ssyncadd.s32 $0xFFFFFF80  }
0x91: {  	[hbm4b:s24+s3] =	stream.linear.scatter [tilespmem:s7], [sflag:$0x2], $0x200, $0x38;
	[tilespmem:$0x800] =	vst v63  }
0x92: {  	_ =	swait.ge [sflag:s4], $0x200  }
0x93: {  	[sflag:s4] =	ssyncset.done $0x0  }
0x94: {  	[sflag:s4] =	ssyncadd.s32 $0xFFFFFE00  }
0x95: {  	[hbm4b:s25+s3] =	stream.linear.scatter [tilespmem:s14], [sflag:$0x2], $0x200, $0x38;
	[tilespmem:$0x800] =	vst v63  }
0x96: {  	_ =	swait.ge [sflag:s4], $0x200  }
.Ltmp1:
0x97: {  	[sflag:s4] =	ssyncset.done $0x0;
	(pc) =	sbr.rel @p0 .LBB2_1-.Ltmp1, $4  }
0x98: {  	[sflag:s4] =	ssyncadd.s32 $0xFFFFFE00  }
0x99: {  	[hbm4b:s26+s3] =	stream.linear.scatter [tilespmem:s19], [sflag:$0x2], $0x200, $0x38;
	[tilespmem:$0x800] =	vst v63  }
0x9a: {  	_ =	swait.ge [sflag:s4], $0x200  }
0x9b: {  	[sflag:s4] =	ssyncset.done $0x0  }
.LBB2_2:
0x9c: {  	[sflag:s4] =	ssyncadd.s32 $0xFFFFFE00  }
0x9d: {  	_ =	sfence.sel $0x180000  }
0x9e: {  	[bflag:$0x0] =	sbarrier.arrive $0xFFFF  }
0x9f: {  	p0 =	sne.s32 s1, $0x0;
	_ =	strace $0x90000047  }
0xa0: {  	s0 =	sadd.s32 @!p0 $0x100000, s0;
	[bflag:$0x2] =	sbarrier.arrive $0xFFFF  }
0xa1: {  	[sflag:s0] =	ssyncadd.tile.s32 @!p0 $0x1;
	_ =	shalt  }
.Lfunc_end2:
_tile_overlayer_lowered:
.L_overlay_start_2:
0xa2: {  	(tag) =	ssettag $0x2  }
0xa3: {  	s0 =	rddreg [dreg:$0x0];
	s2 =	stileid.u32  }
0xa4: {  	s1 =	rddreg [dreg:$0x1];
	p0 =	sne.s32 s2, $0x0  }
0xa5: {  	s3 =	rddreg [dreg:$0x2];
	[bflag:$0x3] =	sbarrier.arrive $0xFFFF;
	s2 =	simm.s32 @!p0 $0x1C02  }
0xa6: {  	[timem:s3], [sflag:s2] =	dma.local @!p0 [hbm:s0], s1  }
0xa7: {  	s0 =	simm.s32 @!p0 $0x2  }
0xa8: {  	_ =	swait.ge @!p0 [sflag:s0], s1  }
0xa9: {  	s1 =	ssub.s32 @!p0 $0x0, s1;
	[sflag:s0] =	ssyncset.done @!p0 $0x0  }
0xaa: {  	[sflag:s0] =	ssyncadd.s32 @!p0 s1  }
0xab: {  	[bflag:$0x3] =	sbarrier.arrive $0xFFFF  }
0xac: {  	_ =	shalt  }

</sc_bundles>
